<compile_context>
chip_gen: v7x
topology: tpu7x:2x2x1
jax: 0.10.2.dev20260603
libtpu: 0.0.44.dev20260713+nightly
codegen_flags: <defaults>
</compile_context>

<pallas_src>
import jax
import jax.numpy as jnp
from jax import lax
from jax.experimental import pallas as pl
from jax.experimental.pallas import tpu as pltpu
from jax.experimental.pallas import tpu_sc as plsc

_BRANCH = 4096
_N = 16384
_TILES = 16
_CHUNK = _N // _TILES
_LANES = 16
_VREGS = _CHUNK // _LANES

_OFF_X = 0
_OFF_ROW = _CHUNK
_OFF_ACC = 2 * _CHUNK
_OFF_BIG = _OFF_ACC + _LANES
_OFF_OUT = _OFF_BIG + _TILES * _LANES
_BUF = _OFF_OUT + _LANES


def _sc_loss_body(idx_hbm, x_hbm, g_hbm, out_hbm,
                  idx_v, buf_v, shared, sem, sem_x):
    wid = lax.axis_index("s")

    h_i = pltpu.async_copy(idx_hbm, idx_v.at[pl.ds(0, 1)], sem)
    h_x = pltpu.async_copy(x_hbm.at[pl.ds(wid * _CHUNK, _CHUNK)],
                           buf_v.at[pl.ds(_OFF_X, _CHUNK)], sem_x)
    h_i.wait()
    idx0 = idx_v[...][0]

    h_r = pltpu.async_copy(g_hbm.at[idx0, pl.ds(wid * _CHUNK, _CHUNK)],
                           buf_v.at[pl.ds(_OFF_ROW, _CHUNK)], sem)
    h_r.wait()
    h_x.wait()

    @plsc.parallel_loop(0, _CHUNK, step=_LANES, unroll=32,
                        carry=jnp.zeros((_LANES,), jnp.float32))
    def acc(i, a):
        return a + jnp.abs(buf_v[pl.ds(_OFF_X + i, _LANES)]
                           - buf_v[pl.ds(_OFF_ROW + i, _LANES)])

    @pl.when(wid != 0)
    def _():
        buf_v[pl.ds(_OFF_ACC, _LANES)] = acc
        pltpu.sync_copy(buf_v.at[pl.ds(_OFF_ACC, _LANES)],
                        shared.at[pl.ds(wid * _LANES, _LANES)])
    plsc.subcore_barrier()

    @pl.when(wid == 0)
    def _():
        pltpu.sync_copy(
            shared.at[pl.ds(_LANES, (_TILES - 1) * _LANES)],
            buf_v.at[pl.ds(_OFF_BIG, (_TILES - 1) * _LANES)])
        total = acc
        for w in range(_TILES - 1):
            total = total + buf_v[pl.ds(_OFF_BIG + w * _LANES, _LANES)]
        lanes = lax.iota(jnp.int32, _LANES)
        dn = lax.GatherDimensionNumbers(offset_dims=(),
                                        collapsed_slice_dims=(0,),
                                        start_index_map=(0,))
        for k in (8, 4, 2, 1):
            total = total + lax.gather(
                total, (lanes ^ k)[:, None], dn, (1,),
                mode=lax.GatherScatterMode.PROMISE_IN_BOUNDS)
        buf_v[pl.ds(_OFF_OUT, _LANES)] = total * (1.0 / _N)
        pltpu.sync_copy(buf_v.at[pl.ds(_OFF_OUT, 1)], out_hbm)


@jax.jit
def _sc_loss(idx1, x, gts):
    mesh = plsc.VectorSubcoreMesh(core_axis_name="c", subcore_axis_name="s",
                                  num_cores=1)
    f = pl.kernel(
        _sc_loss_body,
        mesh=mesh,
        out_type=jax.ShapeDtypeStruct((1,), jnp.float32),
        scratch_types=[
            pltpu.VMEM((_LANES,), jnp.int32),
            pltpu.VMEM((_BUF,), jnp.float32),
            pltpu.VMEM_SHARED((_TILES * _LANES,), jnp.float32),
            pltpu.SemaphoreType.DMA,
            pltpu.SemaphoreType.DMA,
        ],
    )
    return f(idx1, x, gts)


def kernel(x, index, gts):
    idx1 = jnp.asarray(index, jnp.int32).reshape(1)
    out = _sc_loss(idx1, x, gts)
    return out[0]

# --- scband reference (transcript-rebuilt; emitter-appended) ---
"""Pipeline reference for scband-emaconditional-loss-2138893713877 (READ-ONLY COPY).

The authoritative reference and input builder live on the scoring server;
editing this copy changes nothing except your own understanding.
"""

import jax, jax.numpy as jnp
import numpy as np

BRANCH_NUM = 4096
CONV_COUNT = 4
LOSS_WEIGHT = 1.0


def setup_inputs(seed: int = 0) -> dict:
    key = jax.random.key(seed)
    x = jax.random.normal(jax.random.fold_in(key, 0), (BRANCH_NUM * CONV_COUNT,), dtype=jnp.float32)
    # init='eye' then repeat(1, conv_count): gts shape [branch_num, branch_num*conv_count]
    gts = jnp.tile(jnp.eye(BRANCH_NUM, dtype=jnp.float32), (1, CONV_COUNT))
    index = 1234  # scalar branch index, < BRANCH_NUM
    return {"x": x, "index": index, "gts": gts}


def reference(x, index, gts):
    # core='l1', reduce='mean': loss = mean(|x - gts[index]|) * loss_weight
    # (ema_decay=0.0 so the EMA buffer update branch is skipped; it never
    #  affects the returned loss anyway since the update happens after loss calc)
    row = jnp.take(gts, index, axis=0)
    loss = jnp.mean(jnp.abs(x - row))
    return loss * LOSS_WEIGHT

if __name__ == "__main__":
    import jax
    _d = setup_inputs()
    print(jax.jit(kernel)(*tuple(_d.values())))

</pallas_src>

<mosaic_0001>
#map = affine_map<(d0, d1) -> (0)>
#map1 = affine_map<(d0, d1) -> (0, 0)>
module attributes {stable_mosaic.version = 14 : i64} {
  func.func @_sc_loss_body(%arg0: i32, %arg1: i32, %arg2: memref<1xi32, #tpu.memory_space<hbm>>, %arg3: memref<16384xf32, #tpu.memory_space<hbm>>, %arg4: memref<4096x16384xf32, #tpu.memory_space<hbm>>, %arg5: memref<1xf32, #tpu.memory_space<hbm>>, %arg6: memref<16xi32, #tpu.memory_space<vmem>>, %arg7: memref<2336xf32, #tpu.memory_space<vmem>>, %arg8: memref<256xf32, #tpu.memory_space<vmem_shared>>, %arg9: memref<!tpu.dma_semaphore, #tpu.memory_space<semaphore_mem>>, %arg10: memref<!tpu.dma_semaphore, #tpu.memory_space<semaphore_mem>>) attributes {dimension_semantics = [#tpu.dimension_semantics<core_parallel>, #tpu.dimension_semantics<subcore_parallel>], iteration_bounds = array<i64: 1, 16>, scalar_prefetch = 0 : i64, scratch_operands = 5 : i64, tpu.core_type = #tpu.core_type<sc_vector_subcore>, window_params = [{transform_indices = #map}, {transform_indices = #map}, {transform_indices = #map1}, {transform_indices = #map}]} {
    %dma_start3A = arith.constant 0 : i32
    %dma_start3A_0 = tpu.memref_slice %arg6[%dma_start3A] : memref<16xi32, #tpu.memory_space<vmem>> -> memref<1xi32, #tpu.memory_space<vmem>>
    %dma_start3A_1 = arith.constant 0 : i32
    %dma_start3A_2 = tpu.memref_slice %arg6[%dma_start3A_1] : memref<16xi32, #tpu.memory_space<vmem>> -> memref<1xi32, #tpu.memory_space<vmem>>
    tpu.enqueue_dma source(%arg2 : memref<1xi32, #tpu.memory_space<hbm>>) target(%dma_start3A_2 : memref<1xi32, #tpu.memory_space<vmem>>) target_semaphore(%arg9 : memref<!tpu.dma_semaphore, #tpu.memory_space<semaphore_mem>>)
    %mul3A = arith.constant 1024 : i32
    %mul3A_3 = arith.muli %arg1, %mul3A : i32
    %dma_start3A_4 = arith.constant 0 : i32
    %dma_start3A_5 = tpu.memref_slice %arg7[%dma_start3A_4] : memref<2336xf32, #tpu.memory_space<vmem>> -> memref<1024xf32, #tpu.memory_space<vmem>>
    %dma_start3A_6 = tpu.memref_slice %arg3[%mul3A_3] : memref<16384xf32, #tpu.memory_space<hbm>> -> memref<1024xf32, #tpu.memory_space<hbm>>
    %dma_start3A_7 = arith.constant 0 : i32
    %dma_start3A_8 = tpu.memref_slice %arg7[%dma_start3A_7] : memref<2336xf32, #tpu.memory_space<vmem>> -> memref<1024xf32, #tpu.memory_space<vmem>>
    %dma_start3A_9 = tpu.memref_slice %arg3[%mul3A_3] : memref<16384xf32, #tpu.memory_space<hbm>> -> memref<1024xf32, #tpu.memory_space<hbm>>
    tpu.enqueue_dma source(%dma_start3A_9 : memref<1024xf32, #tpu.memory_space<hbm>>) target(%dma_start3A_8 : memref<1024xf32, #tpu.memory_space<vmem>>) target_semaphore(%arg10 : memref<!tpu.dma_semaphore, #tpu.memory_space<semaphore_mem>>)
    %dma_wait3A = arith.constant 0 : i32
    %dma_wait3A_10 = tpu.memref_slice %arg6[%dma_wait3A] : memref<16xi32, #tpu.memory_space<vmem>> -> memref<1xi32, #tpu.memory_space<vmem>>
    %dma_wait3A_11 = arith.constant 0 : i32
    %dma_wait3A_12 = tpu.memref_slice %arg6[%dma_wait3A_11] : memref<16xi32, #tpu.memory_space<vmem>> -> memref<1xi32, #tpu.memory_space<vmem>>
    tpu.wait_dma2 semaphore(%arg9 : memref<!tpu.dma_semaphore, #tpu.memory_space<semaphore_mem>>) src(%arg2 : memref<1xi32, #tpu.memory_space<hbm>>) dst(%dma_wait3A_12 : memref<1xi32, #tpu.memory_space<vmem>>)
    %get3A = arith.constant 0 : index
    %get3A_13 = tpu.vector_load %arg6[%get3A] {strides = array<i32>} : memref<16xi32, #tpu.memory_space<vmem>>, vector<16xi32>,
    %get3A_14 = vector.shape_cast %get3A_13 : vector<16xi32> to vector<16xi32>
    %slice3A = vector.extract_strided_slice %get3A_14 {offsets = [0], sizes = [1], strides = [1]} : vector<16xi32> to vector<1xi32>
    %squeeze3A = vector.extract %slice3A[0] : i32 from vector<1xi32>
    %mul3A_15 = arith.constant 1024 : i32
    %mul3A_16 = arith.muli %arg1, %mul3A_15 : i32
    %dma_start3A_17 = arith.constant 1024 : i32
    %dma_start3A_18 = tpu.memref_slice %arg7[%dma_start3A_17] : memref<2336xf32, #tpu.memory_space<vmem>> -> memref<1024xf32, #tpu.memory_space<vmem>>
    %dma_start3A_19 = tpu.memref_slice %arg4[%squeeze3A, %mul3A_16] : memref<4096x16384xf32, #tpu.memory_space<hbm>> -> memref<1x1024xf32, #tpu.memory_space<hbm>>
    %dma_start3A_20 = tpu.memref_squeeze %dma_start3A_19 : memref<1x1024xf32, #tpu.memory_space<hbm>> -> memref<1024xf32, #tpu.memory_space<hbm>>
    %dma_start3A_21 = arith.constant 1024 : i32
    %dma_start3A_22 = tpu.memref_slice %arg7[%dma_start3A_21] : memref<2336xf32, #tpu.memory_space<vmem>> -> memref<1024xf32, #tpu.memory_space<vmem>>
    %dma_start3A_23 = tpu.memref_slice %arg4[%squeeze3A, %mul3A_16] : memref<4096x16384xf32, #tpu.memory_space<hbm>> -> memref<1x1024xf32, #tpu.memory_space<hbm>>
    %dma_start3A_24 = tpu.memref_squeeze %dma_start3A_23 : memref<1x1024xf32, #tpu.memory_space<hbm>> -> memref<1024xf32, #tpu.memory_space<hbm>>
    tpu.enqueue_dma source(%dma_start3A_24 : memref<1024xf32, #tpu.memory_space<hbm>>) target(%dma_start3A_22 : memref<1024xf32, #tpu.memory_space<vmem>>) target_semaphore(%arg9 : memref<!tpu.dma_semaphore, #tpu.memory_space<semaphore_mem>>)
    %dma_wait3A_25 = arith.constant 1024 : i32
    %dma_wait3A_26 = tpu.memref_slice %arg7[%dma_wait3A_25] : memref<2336xf32, #tpu.memory_space<vmem>> -> memref<1024xf32, #tpu.memory_space<vmem>>
    %dma_wait3A_27 = tpu.memref_slice %arg4[%squeeze3A, %mul3A_16] : memref<4096x16384xf32, #tpu.memory_space<hbm>> -> memref<1x1024xf32, #tpu.memory_space<hbm>>
    %dma_wait3A_28 = tpu.memref_squeeze %dma_wait3A_27 : memref<1x1024xf32, #tpu.memory_space<hbm>> -> memref<1024xf32, #tpu.memory_space<hbm>>
    %dma_wait3A_29 = arith.constant 1024 : i32
    %dma_wait3A_30 = tpu.memref_slice %arg7[%dma_wait3A_29] : memref<2336xf32, #tpu.memory_space<vmem>> -> memref<1024xf32, #tpu.memory_space<vmem>>
    %dma_wait3A_31 = tpu.memref_slice %arg4[%squeeze3A, %mul3A_16] : memref<4096x16384xf32, #tpu.memory_space<hbm>> -> memref<1x1024xf32, #tpu.memory_space<hbm>>
    %dma_wait3A_32 = tpu.memref_squeeze %dma_wait3A_31 : memref<1x1024xf32, #tpu.memory_space<hbm>> -> memref<1024xf32, #tpu.memory_space<hbm>>
    tpu.wait_dma2 semaphore(%arg9 : memref<!tpu.dma_semaphore, #tpu.memory_space<semaphore_mem>>) src(%dma_wait3A_32 : memref<1024xf32, #tpu.memory_space<hbm>>) dst(%dma_wait3A_30 : memref<1024xf32, #tpu.memory_space<vmem>>)
    %dma_wait3A_33 = arith.constant 0 : i32
    %dma_wait3A_34 = tpu.memref_slice %arg7[%dma_wait3A_33] : memref<2336xf32, #tpu.memory_space<vmem>> -> memref<1024xf32, #tpu.memory_space<vmem>>
    %dma_wait3A_35 = tpu.memref_slice %arg3[%mul3A_3] : memref<16384xf32, #tpu.memory_space<hbm>> -> memref<1024xf32, #tpu.memory_space<hbm>>
    %dma_wait3A_36 = arith.constant 0 : i32
    %dma_wait3A_37 = tpu.memref_slice %arg7[%dma_wait3A_36] : memref<2336xf32, #tpu.memory_space<vmem>> -> memref<1024xf32, #tpu.memory_space<vmem>>
    %dma_wait3A_38 = tpu.memref_slice %arg3[%mul3A_3] : memref<16384xf32, #tpu.memory_space<hbm>> -> memref<1024xf32, #tpu.memory_space<hbm>>
    tpu.wait_dma2 semaphore(%arg10 : memref<!tpu.dma_semaphore, #tpu.memory_space<semaphore_mem>>) src(%dma_wait3A_38 : memref<1024xf32, #tpu.memory_space<hbm>>) dst(%dma_wait3A_37 : memref<1024xf32, #tpu.memory_space<vmem>>)
    %broadcast_in_dim3A = arith.constant 0.000000e+00 : f32
    %broadcast_in_dim3A_39 = vector.broadcast %broadcast_in_dim3A : f32 to vector<16xf32>
    %parallel_loop3A = arith.constant 0 : i32
    %parallel_loop3A_40 = arith.constant 1024 : i32
    %parallel_loop3A_41 = arith.constant 16 : i32
    %parallel_loop3A_42 = scf.for %parallel_loop3A_49 = %parallel_loop3A to %parallel_loop3A_40 step %parallel_loop3A_41 iter_args(%parallel_loop3A_50 = %broadcast_in_dim3A_39) -> (vector<16xf32>)  : i32 {
      %parallel_loop3A_51 = arith.constant 0 : i32
      %parallel_loop3A_52 = arith.addi %parallel_loop3A_51, %parallel_loop3A_49 : i32
      %parallel_loop3A_53 = arith.index_cast %parallel_loop3A_52 : i32 to index
      %parallel_loop3A_54 = tpu.vector_load %arg7[%parallel_loop3A_53] {strides = array<i32>} : memref<2336xf32, #tpu.memory_space<vmem>>, vector<16xf32>,
      %parallel_loop3A_55 = vector.shape_cast %parallel_loop3A_54 : vector<16xf32> to vector<16xf32>
      %parallel_loop3A_56 = arith.constant 1024 : i32
      %parallel_loop3A_57 = arith.addi %parallel_loop3A_56, %parallel_loop3A_49 : i32
      %parallel_loop3A_58 = arith.index_cast %parallel_loop3A_57 : i32 to index
      %parallel_loop3A_59 = tpu.vector_load %arg7[%parallel_loop3A_58] {strides = array<i32>} : memref<2336xf32, #tpu.memory_space<vmem>>, vector<16xf32>,
      %parallel_loop3A_60 = vector.shape_cast %parallel_loop3A_59 : vector<16xf32> to vector<16xf32>
      %parallel_loop3A_61 = arith.subf %parallel_loop3A_55, %parallel_loop3A_60 : vector<16xf32>
      %parallel_loop3A_62 = math.absf %parallel_loop3A_61 : vector<16xf32>
      %parallel_loop3A_63 = arith.addf %parallel_loop3A_50, %parallel_loop3A_62 : vector<16xf32>
      scf.yield %parallel_loop3A_63 : vector<16xf32>
    } {sc.loop_unroll_factor = 32 : i64, sc.parallel_access}
    %ne3A = arith.constant 0 : i32
    %ne3A_43 = arith.cmpi ne, %arg1, %ne3A : i32
    %convert_element_type3A = arith.extui %ne3A_43 : i1 to i32
    %cond3A = arith.constant 0 : i32
    %cond3A_44 = arith.cmpi ne, %convert_element_type3A, %cond3A : i32
    scf.if %cond3A_44 {
      %swap3A = arith.constant 2048 : index
      %swap3A_49 = tpu.vector_load %arg7[%swap3A] {strides = array<i32>} : memref<2336xf32, #tpu.memory_space<vmem>>, vector<16xf32>,
      %swap3A_50 = vector.shape_cast %swap3A_49 : vector<16xf32> to vector<16xf32>
      %swap3A_51 = vector.shape_cast %parallel_loop3A_42 : vector<16xf32> to vector<16xf32>
      tpu.vector_store %arg7[%swap3A], %swap3A_51 {strides = array<i32>} : memref<2336xf32, #tpu.memory_space<vmem>>, vector<16xf32>,
      %mul3A_52 = arith.constant 16 : i32
      %mul3A_53 = arith.muli %arg1, %mul3A_52 : i32
      "tpu.region"() ({
        %run_scoped3A = tpu.sem_alloc : memref<!tpu.dma_semaphore, #tpu.memory_space<semaphore_mem>>
        %dma_start3A_54 = arith.constant 2048 : i32
        %dma_start3A_55 = tpu.memref_slice %arg7[%dma_start3A_54] : memref<2336xf32, #tpu.memory_space<vmem>> -> memref<16xf32, #tpu.memory_space<vmem>>
        %dma_start3A_56 = tpu.memref_slice %arg8[%mul3A_53] : memref<256xf32, #tpu.memory_space<vmem_shared>> -> memref<16xf32, #tpu.memory_space<vmem_shared>>
        %dma_start3A_57 = tpu.memref_slice %arg8[%mul3A_53] : memref<256xf32, #tpu.memory_space<vmem_shared>> -> memref<16xf32, #tpu.memory_space<vmem_shared>>
        %dma_start3A_58 = arith.constant 2048 : i32
        %dma_start3A_59 = tpu.memref_slice %arg7[%dma_start3A_58] : memref<2336xf32, #tpu.memory_space<vmem>> -> memref<16xf32, #tpu.memory_space<vmem>>
        tpu.enqueue_dma source(%dma_start3A_59 : memref<16xf32, #tpu.memory_space<vmem>>) target(%dma_start3A_57 : memref<16xf32, #tpu.memory_space<vmem_shared>>) target_semaphore(%run_scoped3A : memref<!tpu.dma_semaphore, #tpu.memory_space<semaphore_mem>>)
        %dma_wait3A_60 = arith.constant 2048 : i32
        %dma_wait3A_61 = tpu.memref_slice %arg7[%dma_wait3A_60] : memref<2336xf32, #tpu.memory_space<vmem>> -> memref<16xf32, #tpu.memory_space<vmem>>
        %dma_wait3A_62 = tpu.memref_slice %arg8[%mul3A_53] : memref<256xf32, #tpu.memory_space<vmem_shared>> -> memref<16xf32, #tpu.memory_space<vmem_shared>>
        %dma_wait3A_63 = tpu.memref_slice %arg8[%mul3A_53] : memref<256xf32, #tpu.memory_space<vmem_shared>> -> memref<16xf32, #tpu.memory_space<vmem_shared>>
        %dma_wait3A_64 = arith.constant 2048 : i32
        %dma_wait3A_65 = tpu.memref_slice %arg7[%dma_wait3A_64] : memref<2336xf32, #tpu.memory_space<vmem>> -> memref<16xf32, #tpu.memory_space<vmem>>
        tpu.wait_dma2 semaphore(%run_scoped3A : memref<!tpu.dma_semaphore, #tpu.memory_space<semaphore_mem>>) src(%dma_wait3A_65 : memref<16xf32, #tpu.memory_space<vmem>>) dst(%dma_wait3A_63 : memref<16xf32, #tpu.memory_space<vmem_shared>>)
        tpu.yield
      }) : () -> ()
    } else {
    }
    %barrier3A = arith.constant 0 : index
    tpu.barrier barrier_id(%barrier3A)
    %eq3A = arith.constant 0 : i32
    %eq3A_45 = arith.cmpi eq, %arg1, %eq3A : i32
    %convert_element_type3A_46 = arith.extui %eq3A_45 : i1 to i32
    %cond3A_47 = arith.constant 0 : i32
    %cond3A_48 = arith.cmpi ne, %convert_element_type3A_46, %cond3A_47 : i32
    scf.if %cond3A_48 {
      "tpu.region"() ({
        %run_scoped3A = tpu.sem_alloc : memref<!tpu.dma_semaphore, #tpu.memory_space<semaphore_mem>>
        %dma_start3A_140 = arith.constant 2064 : i32
        %dma_start3A_141 = tpu.memref_slice %arg7[%dma_start3A_140] : memref<2336xf32, #tpu.memory_space<vmem>> -> memref<240xf32, #tpu.memory_space<vmem>>
        %dma_start3A_142 = arith.constant 16 : i32
        %dma_start3A_143 = tpu.memref_slice %arg8[%dma_start3A_142] : memref<256xf32, #tpu.memory_space<vmem_shared>> -> memref<240xf32, #tpu.memory_space<vmem_shared>>
        %dma_start3A_144 = arith.constant 2064 : i32
        %dma_start3A_145 = tpu.memref_slice %arg7[%dma_start3A_144] : memref<2336xf32, #tpu.memory_space<vmem>> -> memref<240xf32, #tpu.memory_space<vmem>>
        %dma_start3A_146 = arith.constant 16 : i32
        %dma_start3A_147 = tpu.memref_slice %arg8[%dma_start3A_146] : memref<256xf32, #tpu.memory_space<vmem_shared>> -> memref<240xf32, #tpu.memory_space<vmem_shared>>
        tpu.enqueue_dma source(%dma_start3A_147 : memref<240xf32, #tpu.memory_space<vmem_shared>>) target(%dma_start3A_145 : memref<240xf32, #tpu.memory_space<vmem>>) target_semaphore(%run_scoped3A : memref<!tpu.dma_semaphore, #tpu.memory_space<semaphore_mem>>)
        %dma_wait3A_148 = arith.constant 2064 : i32
        %dma_wait3A_149 = tpu.memref_slice %arg7[%dma_wait3A_148] : memref<2336xf32, #tpu.memory_space<vmem>> -> memref<240xf32, #tpu.memory_space<vmem>>
        %dma_wait3A_150 = arith.constant 16 : i32
        %dma_wait3A_151 = tpu.memref_slice %arg8[%dma_wait3A_150] : memref<256xf32, #tpu.memory_space<vmem_shared>> -> memref<240xf32, #tpu.memory_space<vmem_shared>>
        %dma_wait3A_152 = arith.constant 2064 : i32
        %dma_wait3A_153 = tpu.memref_slice %arg7[%dma_wait3A_152] : memref<2336xf32, #tpu.memory_space<vmem>> -> memref<240xf32, #tpu.memory_space<vmem>>
        %dma_wait3A_154 = arith.constant 16 : i32
        %dma_wait3A_155 = tpu.memref_slice %arg8[%dma_wait3A_154] : memref<256xf32, #tpu.memory_space<vmem_shared>> -> memref<240xf32, #tpu.memory_space<vmem_shared>>
        tpu.wait_dma2 semaphore(%run_scoped3A : memref<!tpu.dma_semaphore, #tpu.memory_space<semaphore_mem>>) src(%dma_wait3A_155 : memref<240xf32, #tpu.memory_space<vmem_shared>>) dst(%dma_wait3A_153 : memref<240xf32, #tpu.memory_space<vmem>>)
        tpu.yield
      }) : () -> ()
      %get3A_49 = arith.constant 2064 : index
      %get3A_50 = tpu.vector_load %arg7[%get3A_49] {strides = array<i32>} : memref<2336xf32, #tpu.memory_space<vmem>>, vector<16xf32>,
      %get3A_51 = vector.shape_cast %get3A_50 : vector<16xf32> to vector<16xf32>
      %add3A = arith.addf %parallel_loop3A_42, %get3A_51 : vector<16xf32>
      %get3A_52 = arith.constant 2080 : index
      %get3A_53 = tpu.vector_load %arg7[%get3A_52] {strides = array<i32>} : memref<2336xf32, #tpu.memory_space<vmem>>, vector<16xf32>,
      %get3A_54 = vector.shape_cast %get3A_53 : vector<16xf32> to vector<16xf32>
      %add3A_55 = arith.addf %add3A, %get3A_54 : vector<16xf32>
      %get3A_56 = arith.constant 2096 : index
      %get3A_57 = tpu.vector_load %arg7[%get3A_56] {strides = array<i32>} : memref<2336xf32, #tpu.memory_space<vmem>>, vector<16xf32>,
      %get3A_58 = vector.shape_cast %get3A_57 : vector<16xf32> to vector<16xf32>
      %add3A_59 = arith.addf %add3A_55, %get3A_58 : vector<16xf32>
      %get3A_60 = arith.constant 2112 : index
      %get3A_61 = tpu.vector_load %arg7[%get3A_60] {strides = array<i32>} : memref<2336xf32, #tpu.memory_space<vmem>>, vector<16xf32>,
      %get3A_62 = vector.shape_cast %get3A_61 : vector<16xf32> to vector<16xf32>
      %add3A_63 = arith.addf %add3A_59, %get3A_62 : vector<16xf32>
      %get3A_64 = arith.constant 2128 : index
      %get3A_65 = tpu.vector_load %arg7[%get3A_64] {strides = array<i32>} : memref<2336xf32, #tpu.memory_space<vmem>>, vector<16xf32>,
      %get3A_66 = vector.shape_cast %get3A_65 : vector<16xf32> to vector<16xf32>
      %add3A_67 = arith.addf %add3A_63, %get3A_66 : vector<16xf32>
      %get3A_68 = arith.constant 2144 : index
      %get3A_69 = tpu.vector_load %arg7[%get3A_68] {strides = array<i32>} : memref<2336xf32, #tpu.memory_space<vmem>>, vector<16xf32>,
      %get3A_70 = vector.shape_cast %get3A_69 : vector<16xf32> to vector<16xf32>
      %add3A_71 = arith.addf %add3A_67, %get3A_70 : vector<16xf32>
      %get3A_72 = arith.constant 2160 : index
      %get3A_73 = tpu.vector_load %arg7[%get3A_72] {strides = array<i32>} : memref<2336xf32, #tpu.memory_space<vmem>>, vector<16xf32>,
      %get3A_74 = vector.shape_cast %get3A_73 : vector<16xf32> to vector<16xf32>
      %add3A_75 = arith.addf %add3A_71, %get3A_74 : vector<16xf32>
      %get3A_76 = arith.constant 2176 : index
      %get3A_77 = tpu.vector_load %arg7[%get3A_76] {strides = array<i32>} : memref<2336xf32, #tpu.memory_space<vmem>>, vector<16xf32>,
      %get3A_78 = vector.shape_cast %get3A_77 : vector<16xf32> to vector<16xf32>
      %add3A_79 = arith.addf %add3A_75, %get3A_78 : vector<16xf32>
      %get3A_80 = arith.constant 2192 : index
      %get3A_81 = tpu.vector_load %arg7[%get3A_80] {strides = array<i32>} : memref<2336xf32, #tpu.memory_space<vmem>>, vector<16xf32>,
      %get3A_82 = vector.shape_cast %get3A_81 : vector<16xf32> to vector<16xf32>
      %add3A_83 = arith.addf %add3A_79, %get3A_82 : vector<16xf32>
      %get3A_84 = arith.constant 2208 : index
      %get3A_85 = tpu.vector_load %arg7[%get3A_84] {strides = array<i32>} : memref<2336xf32, #tpu.memory_space<vmem>>, vector<16xf32>,
      %get3A_86 = vector.shape_cast %get3A_85 : vector<16xf32> to vector<16xf32>
      %add3A_87 = arith.addf %add3A_83, %get3A_86 : vector<16xf32>
      %get3A_88 = arith.constant 2224 : index
      %get3A_89 = tpu.vector_load %arg7[%get3A_88] {strides = array<i32>} : memref<2336xf32, #tpu.memory_space<vmem>>, vector<16xf32>,
      %get3A_90 = vector.shape_cast %get3A_89 : vector<16xf32> to vector<16xf32>
      %add3A_91 = arith.addf %add3A_87, %get3A_90 : vector<16xf32>
      %get3A_92 = arith.constant 2240 : index
      %get3A_93 = tpu.vector_load %arg7[%get3A_92] {strides = array<i32>} : memref<2336xf32, #tpu.memory_space<vmem>>, vector<16xf32>,
      %get3A_94 = vector.shape_cast %get3A_93 : vector<16xf32> to vector<16xf32>
      %add3A_95 = arith.addf %add3A_91, %get3A_94 : vector<16xf32>
      %get3A_96 = arith.constant 2256 : index
      %get3A_97 = tpu.vector_load %arg7[%get3A_96] {strides = array<i32>} : memref<2336xf32, #tpu.memory_space<vmem>>, vector<16xf32>,
      %get3A_98 = vector.shape_cast %get3A_97 : vector<16xf32> to vector<16xf32>
      %add3A_99 = arith.addf %add3A_95, %get3A_98 : vector<16xf32>
      %get3A_100 = arith.constant 2272 : index
      %get3A_101 = tpu.vector_load %arg7[%get3A_100] {strides = array<i32>} : memref<2336xf32, #tpu.memory_space<vmem>>, vector<16xf32>,
      %get3A_102 = vector.shape_cast %get3A_101 : vector<16xf32> to vector<16xf32>
      %add3A_103 = arith.addf %add3A_99, %get3A_102 : vector<16xf32>
      %get3A_104 = arith.constant 2288 : index
      %get3A_105 = tpu.vector_load %arg7[%get3A_104] {strides = array<i32>} : memref<2336xf32, #tpu.memory_space<vmem>>, vector<16xf32>,
      %get3A_106 = vector.shape_cast %get3A_105 : vector<16xf32> to vector<16xf32>
      %add3A_107 = arith.addf %add3A_103, %get3A_106 : vector<16xf32>
      %iota3A = tpu.iota {dimensions = array<i32: 0>} : vector<16xi32>
      %xor3A = arith.constant 8 : i32
      %xor3A_108 = vector.broadcast %xor3A : i32 to vector<16xi32>
      %xor3A_109 = arith.xori %iota3A, %xor3A_108 : vector<16xi32>
      %broadcast_in_dim3A_110 = vector.shape_cast %xor3A_109 : vector<16xi32> to vector<16x1xi32>
      %gather3A = vector.shape_cast %broadcast_in_dim3A_110 : vector<16x1xi32> to vector<16xi32>
      %gather3A_111 = tpu.dynamic_gather %add3A_107[%gather3A] in [0] : vector<16xf32>, vector<16xi32> -> vector<16xf32>
      %add3A_112 = arith.addf %add3A_107, %gather3A_111 : vector<16xf32>
      %xor3A_113 = arith.constant 4 : i32
      %xor3A_114 = vector.broadcast %xor3A_113 : i32 to vector<16xi32>
      %xor3A_115 = arith.xori %iota3A, %xor3A_114 : vector<16xi32>
      %broadcast_in_dim3A_116 = vector.shape_cast %xor3A_115 : vector<16xi32> to vector<16x1xi32>
      %gather3A_117 = vector.shape_cast %broadcast_in_dim3A_116 : vector<16x1xi32> to vector<16xi32>
      %gather3A_118 = tpu.dynamic_gather %add3A_112[%gather3A_117] in [0] : vector<16xf32>, vector<16xi32> -> vector<16xf32>
      %add3A_119 = arith.addf %add3A_112, %gather3A_118 : vector<16xf32>
      %xor3A_120 = arith.constant 2 : i32
      %xor3A_121 = vector.broadcast %xor3A_120 : i32 to vector<16xi32>
      %xor3A_122 = arith.xori %iota3A, %xor3A_121 : vector<16xi32>
      %broadcast_in_dim3A_123 = vector.shape_cast %xor3A_122 : vector<16xi32> to vector<16x1xi32>
      %gather3A_124 = vector.shape_cast %broadcast_in_dim3A_123 : vector<16x1xi32> to vector<16xi32>
      %gather3A_125 = tpu.dynamic_gather %add3A_119[%gather3A_124] in [0] : vector<16xf32>, vector<16xi32> -> vector<16xf32>
      %add3A_126 = arith.addf %add3A_119, %gather3A_125 : vector<16xf32>
      %xor3A_127 = arith.constant 1 : i32
      %xor3A_128 = vector.broadcast %xor3A_127 : i32 to vector<16xi32>
      %xor3A_129 = arith.xori %iota3A, %xor3A_128 : vector<16xi32>
      %broadcast_in_dim3A_130 = vector.shape_cast %xor3A_129 : vector<16xi32> to vector<16x1xi32>
      %gather3A_131 = vector.shape_cast %broadcast_in_dim3A_130 : vector<16x1xi32> to vector<16xi32>
      %gather3A_132 = tpu.dynamic_gather %add3A_126[%gather3A_131] in [0] : vector<16xf32>, vector<16xi32> -> vector<16xf32>
      %add3A_133 = arith.addf %add3A_126, %gather3A_132 : vector<16xf32>
      %mul3A_134 = arith.constant 6.10351563E-5 : f32
      %mul3A_135 = vector.broadcast %mul3A_134 : f32 to vector<16xf32>
      %mul3A_136 = arith.mulf %add3A_133, %mul3A_135 : vector<16xf32>
      %swap3A = arith.constant 2320 : index
      %swap3A_137 = tpu.vector_load %arg7[%swap3A] {strides = array<i32>} : memref<2336xf32, #tpu.memory_space<vmem>>, vector<16xf32>,
      %swap3A_138 = vector.shape_cast %swap3A_137 : vector<16xf32> to vector<16xf32>
      %swap3A_139 = vector.shape_cast %mul3A_136 : vector<16xf32> to vector<16xf32>
      tpu.vector_store %arg7[%swap3A], %swap3A_139 {strides = array<i32>} : memref<2336xf32, #tpu.memory_space<vmem>>, vector<16xf32>,
      "tpu.region"() ({
        %run_scoped3A = tpu.sem_alloc : memref<!tpu.dma_semaphore, #tpu.memory_space<semaphore_mem>>
        %dma_start3A_140 = arith.constant 2320 : i32
        %dma_start3A_141 = tpu.memref_slice %arg7[%dma_start3A_140] : memref<2336xf32, #tpu.memory_space<vmem>> -> memref<1xf32, #tpu.memory_space<vmem>>
        %dma_start3A_142 = arith.constant 2320 : i32
        %dma_start3A_143 = tpu.memref_slice %arg7[%dma_start3A_142] : memref<2336xf32, #tpu.memory_space<vmem>> -> memref<1xf32, #tpu.memory_space<vmem>>
        tpu.enqueue_dma source(%dma_start3A_143 : memref<1xf32, #tpu.memory_space<vmem>>) target(%arg5 : memref<1xf32, #tpu.memory_space<hbm>>) target_semaphore(%run_scoped3A : memref<!tpu.dma_semaphore, #tpu.memory_space<semaphore_mem>>)
        %dma_wait3A_144 = arith.constant 2320 : i32
        %dma_wait3A_145 = tpu.memref_slice %arg7[%dma_wait3A_144] : memref<2336xf32, #tpu.memory_space<vmem>> -> memref<1xf32, #tpu.memory_space<vmem>>
        %dma_wait3A_146 = arith.constant 2320 : i32
        %dma_wait3A_147 = tpu.memref_slice %arg7[%dma_wait3A_146] : memref<2336xf32, #tpu.memory_space<vmem>> -> memref<1xf32, #tpu.memory_space<vmem>>
        tpu.wait_dma2 semaphore(%run_scoped3A : memref<!tpu.dma_semaphore, #tpu.memory_space<semaphore_mem>>) src(%dma_wait3A_147 : memref<1xf32, #tpu.memory_space<vmem>>) dst(%arg5 : memref<1xf32, #tpu.memory_space<hbm>>)
        tpu.yield
      }) : () -> ()
    } else {
    }
    return
  }
}

</mosaic_0001>

<sc_bundles>
// kernel: _sc_loss.3.cloned.1.call-start
scs
__scs_entry_jumppad:
0x0: {  	(pc) =	sbr.rel $0x88, $3  }
0x1: {  	(tag) =	ssettag $0x0;
	lr =	simm.s32 $0x1  }
0x2: {  	[smem:$0x3F9E] =	sst lr;
	_ =	strace $0xD0000000  }
0x3: {  	_ = 	snop  }
0x4: {  	_ = 	snop  }
0x5: {  	_ = 	snop  }
0x6: {  	_ = 	snop  }
0x7: {  	_ = 	snop  }
__scs_overlays_trampoline_lowered:
0x8: {  	[smem:$0x3FAD] =	sst s0  }
0x9: {  	[smem:$0x3FAE] =	sst s1  }
0xa: {  	[smem:$0x3FAF] =	sst s2  }
0xb: {  	[smem:$0x3FB0] =	sst s3  }
0xc: {  	[smem:$0x3FB1] =	sst s4  }
0xd: {  	[smem:$0x3FB2] =	sst s5  }
0xe: {  	[smem:$0x3FB3] =	sst s6  }
0xf: {  	[smem:$0x3FB4] =	sst s7  }
0x10: {  	[smem:$0x3FB5] =	sst s8  }
0x11: {  	[smem:$0x3FB6] =	sst s9;
	s0 =	simm.s32 @!p0 $0x0  }
0x12: {  	s1 =	sld [smem:$0x3F9C];
	s0 =	simm.s32 @p0 $0x1  }
0x13: {  	[smem:$0x3FB7] =	sst s0;
	s0 =	simm.s32 @!p1 $0x0  }
0x14: {  	s2 =	sld [smem:$0x3F9B];
	s0 =	simm.s32 @p1 $0x1  }
0x15: {  	[smem:$0x3FB8] =	sst s0;
	s0 =	simm.s32 @!p2 $0x0  }
0x16: {  	s3 =	sld [smem:$0x3FDB];
	s0 =	simm.s32 @p2 $0x1  }
0x17: {  	s4 =	simm.s32 $0x1BF5;
	[smem:$0x3FBA] =	sst s0  }
0x18: {  	s0 =	sld [smem:$0x3F9D];
	_ =	swait.ge [sflag:s4], $0x0  }
0x19: {  	s7 =	sld [smem:$0x3F9E]  }
0x1a: {  	s8 =	sadd.s32 $0xFFFFE003, lr  }
0x1b: {  	s9 =	sadd.s32 $0xFFFFFEF7, lr;
	s5 =	simm.s32 $0xFFFFFFFF;
	p2 =	slt.u32 s8, $0xFFFFF086  }
0x1c: {  	p1 =	slt.u32 s9, $0xF7A;
	s5 =	simm.s32 @!p2 $0x0  }
0x1d: {  	s5 =	simm.s32 @p1 $0x1;
	p0 =	seq.s32 s7, s2  }
0x1e: {  	s7 =	smul.u32 @!p0 $0xF7A, s2;
	p2 =	seq.s32 @!p0 s5, $0x0  }
0x1f: {  	s9 =	smul.u32 $0xF7A, s1;
	s8 =	simm.s32 @!p0 $0x1BF5;
	p2 =	por !p2, p0  }
0x20: {  	[sflag:s8] =	ssyncset.s32 @!p0 $0xFFFFF086;
	s6 =	sadd.s32 @!p0 s3, s7;
	s7 =	simm.s32 @!p0 $0x108  }
0x21: {  	s3 =	sadd.s32 s3, s9;
	s6 =	sadd.s32 @!p0 $0x88, s6;
	s7 =	simm.s32 @p2 $0x1082  }
0x22: {  	[simem:s7], [sflag:s8] =	dma.local @!p0 [hbm:s6], $0xF7A  }
0x23: {  	s9 =	sor.u32 $0xD0000000, s2;
	s6 =	simm.s32 $0x108;
	_ =	swait.ge @!p0 [sflag:s8], $0x0  }
0x24: {  	s3 =	sadd.s32 $0x88, s3;
	s6 =	simm.s32 @!p1 $0x1082;
	[sflag:s4] =	ssyncset.s32 $0xFFFFF086  }
0x25: {  	[simem:s6], [sflag:s4] =	dma.local [hbm:s3], $0xF7A  }
0x26: {  	[smem:$0x3F9E] =	sst s1;
	(tag) =	ssettag s2;
	_ =	strace s9  }
0x27: {  	s1 =	sld [smem:$0x3FAE]  }
0x28: {  	s2 =	sld [smem:$0x3FAF]  }
0x29: {  	s4 =	sld [smem:$0x3FB1]  }
0x2a: {  	p0 =	seq.s32 s5, $0x0;
	s5 =	sld [smem:$0x3FB2]  }
0x2b: {  	s6 =	sld [smem:$0x3FB3]  }
0x2c: {  	s7 =	sld [smem:$0x3FB4]  }
0x2d: {  	s3 =	simm.s32 $0x108;
	s8 =	sld [smem:$0x3FB5]  }
0x2e: {  	s3 =	simm.s32 @!p0 $0x1082;
	s9 =	sld [smem:$0x3FB6]  }
0x2f: {  	lr =	sadd.s32 s0, s3;
	s0 =	sld [smem:$0x3FAD]  }
0x30: {  	s3 =	sld [smem:$0x3FB0]  }
0x31: {  	[smem:$0x3FB9] =	sst s10  }
0x32: {  	s10 =	sld [smem:$0x3FB7];
	_ =	sdelay $0x3  }
0x33: {  	p0 =	seq.s32 s10, $0x1;
	s10 =	sld [smem:$0x3FB9];
	_ =	sdelay $0x3  }
0x34: {  	[smem:$0x3FB9] =	sst s10  }
0x35: {  	s10 =	sld [smem:$0x3FB8];
	_ =	sdelay $0x3  }
0x36: {  	p1 =	seq.s32 s10, $0x1;
	s10 =	sld [smem:$0x3FB9];
	_ =	sdelay $0x3  }
0x37: {  	[smem:$0x3FB9] =	sst s10  }
0x38: {  	s10 =	sld [smem:$0x3FBA]  }
0x39: {  	_ = 	snop;
	(pc) =	sbr.ind lr, $3  }
0x3a: {  	_ = 	snop  }
0x3b: {  	_ = 	snop  }
0x3c: {  	p2 =	seq.s32 s10, $0x1;
	s10 =	sld [smem:$0x3FB9]  }
0x3d: {  	_ =	shalt  }
0x3e: {  	_ =	shalt  }
0x3f: {  	_ =	shalt  }
0x40: {  	_ =	shalt  }
0x41: {  	_ =	shalt  }
0x42: {  	_ =	shalt  }
0x43: {  	_ =	shalt  }
0x44: {  	_ =	shalt  }
0x45: {  	_ =	shalt  }
0x46: {  	_ =	shalt  }
0x47: {  	_ =	shalt  }
0x48: {  	_ =	shalt  }
0x49: {  	_ =	shalt  }
0x4a: {  	_ =	shalt  }
0x4b: {  	_ =	shalt  }
0x4c: {  	_ =	shalt  }
0x4d: {  	_ =	shalt  }
0x4e: {  	_ =	shalt  }
0x4f: {  	_ =	shalt  }
0x50: {  	_ =	shalt  }
0x51: {  	_ =	shalt  }
0x52: {  	_ =	shalt  }
0x53: {  	_ =	shalt  }
0x54: {  	_ =	shalt  }
0x55: {  	_ =	shalt  }
0x56: {  	_ =	shalt  }
0x57: {  	_ =	shalt  }
0x58: {  	_ =	shalt  }
0x59: {  	_ =	shalt  }
0x5a: {  	_ =	shalt  }
0x5b: {  	_ =	shalt  }
0x5c: {  	_ =	shalt  }
0x5d: {  	_ =	shalt  }
0x5e: {  	_ =	shalt  }
0x5f: {  	_ =	shalt  }
0x60: {  	_ =	shalt  }
0x61: {  	_ =	shalt  }
0x62: {  	_ =	shalt  }
0x63: {  	_ =	shalt  }
0x64: {  	_ =	shalt  }
0x65: {  	_ =	shalt  }
0x66: {  	_ =	shalt  }
0x67: {  	_ =	shalt  }
0x68: {  	_ =	shalt  }
0x69: {  	_ =	shalt  }
0x6a: {  	_ =	shalt  }
0x6b: {  	_ =	shalt  }
0x6c: {  	_ =	shalt  }
0x6d: {  	_ =	shalt  }
0x6e: {  	_ =	shalt  }
0x6f: {  	_ =	shalt  }
0x70: {  	_ =	shalt  }
0x71: {  	_ =	shalt  }
0x72: {  	_ =	shalt  }
0x73: {  	_ =	shalt  }
0x74: {  	_ =	shalt  }
0x75: {  	_ =	shalt  }
0x76: {  	_ =	shalt  }
0x77: {  	_ =	shalt  }
0x78: {  	_ =	shalt  }
0x79: {  	_ =	shalt  }
0x7a: {  	_ =	shalt  }
0x7b: {  	_ =	shalt  }
0x7c: {  	_ =	shalt  }
0x7d: {  	_ =	shalt  }
0x7e: {  	_ =	shalt  }
0x7f: {  	_ =	shalt  }
0x80: {  	_ =	shalt  }
0x81: {  	_ =	shalt  }
0x82: {  	_ =	shalt  }
0x83: {  	_ =	shalt  }
0x84: {  	_ =	shalt  }
0x85: {  	_ =	shalt  }
0x86: {  	_ =	shalt  }
0x87: {  	_ =	shalt  }
.Lfunc_end0:
.L_simem_size_0:
called_computation_lowered:
.L_overlay_start_0:
0x88: {  	s0 =	sld [smem:$0x3FD9]  }
0x89: {  	s1 =	sld [smem:$0x3FFE];
	_ =	sdelay $0x3  }
0x8a: {  	s0 =	sadd.s32 s1, s0  }
0x8b: {  	[smem:$0x3FC5] =	sst s0  }
0x8c: {  	_ = 	snop  }
0x8d: {  	s0 =	sld [smem:$0x3FC9]  }
0x8e: {  	s17 =	sld [smem:$0x3FC8]  }
0x8f: {  	s2 =	sld [smem:$0x3FC7]  }
0x90: {  	s3 =	sld [smem:$0x3FD0];
	(tm) =	ssettm $0x1  }
0x91: {  	s4 =	sld [smem:$0x3FFB];
	_ =	sdelay $0x3  }
0x92: {  	_ =	strace s4  }
0x93: {  	s4 =	sld [smem:$0x3FFC];
	_ =	sdelay $0x3  }
0x94: {  	_ =	strace s4  }
0x95: {  	s4 =	sld [smem:$0x3FFD];
	_ =	sdelay $0x3  }
0x96: {  	_ =	strace s4  }
0x97: {  	_ =	strace $0x8FFFFFFF  }
0x98: {  	s18 =	sld [smem:$0x3FDB];
	_ =	sdelay $0x1  }
0x99: {  	s5 =	simm.s32 $_scs_section_size  }
0x9a: {  	s6 =	simm.s32 $_size__tile_overlayer_lowered;
	s7 =	simm.s32 $_tile_overlayer_lowered  }
0x9b: {  	s21 =	simm.s32 $0x1BFF;
	s20 =	sshll.u32 s7, $0x1;
	s4 =	sadd.s32 s5, s18  }
0x9c: {  	s8 =	simm.s32 $0x0;
	s19 =	sshll.u32 s6, $0x1;
	s6 =	sadd.s32 s20, s4  }
0x9d: {  	[timem:s8], [sflag:s21] =	dma.local [hbm:s6], s19  }
0x9e: {  	_ =	swait.ge [sflag:s21], s19  }
0x9f: {  	s5 =	ssub.s32 $0x0, s19;
	[sflag:s21] =	ssyncset.done $0x0  }
0xa0: {  	[sflag:s21] =	ssyncadd.s32 s5;
	_ =	sdelay $0x1  }
0xa1: {  	s22 =	simm.s32 $0x1B8B  }
0xa2: {  	_ =	swait.ge [sflag:s22], $0x1  }
0xa3: {  	[sflag:s22] =	ssyncset.done $0x0  }
0xa4: {  	s23 =	simm.s32 $0x1B8E;
	[sflag:s22] =	ssyncadd.s32 $0xFFFFFFFF  }
0xa5: {  	s24 =	simm.s32 $execute0_lowered;
	[smem:$0x3FD2] =	sst s23  }
0xa6: {  	s5 =	sshll.u32 s24, $0x1;
	_ =	strace $0x80000046;
	[dreg:$0x1] =	wrdreg $0xFFFFFFFF  }
0xa7: {  	s25 =	simm.s32 $_size_execute0_lowered;
	s4 =	sadd.s32 s4, s5;
	[dreg:$0x0] =	wrdreg $0x0  }
0xa8: {  	s5 =	sshll.u32 s25, $0x1;
	[dreg:$0x2] =	wrdreg s4  }
0xa9: {  	[dreg:$0x3] =	wrdreg s5  }
0xaa: {  	[dreg:$0x4] =	wrdreg $0xC0  }
0xab: {  	_ =	task [dreg:s8], $0x5FFFF  }
0xac: {  	[dreg:$0x1] =	wrdreg $0xFFFFFFFF  }
0xad: {  	[dreg:$0x0] =	wrdreg $0x60  }
0xae: {  	[dreg:$0x2] =	wrdreg s0  }
0xaf: {  	[dreg:$0x3] =	wrdreg s17  }
0xb0: {  	[dreg:$0x4] =	wrdreg s2  }
0xb1: {  	[dreg:$0x5] =	wrdreg s3  }
0xb2: {  	[dreg:$0x6] =	wrdreg $0xA000  }
0xb3: {  	[dreg:$0x7] =	wrdreg $0x9  }
0xb4: {  	_ =	task.clear_ibuf [dreg:s8], $0x8FFFF;
	_ =	strace $0x90000046  }
0xb5: {  	s26 =	simm.s32 $0x9;
	_ =	strace $0x80000048  }
0xb6: {  	_ =	swait.ge [sflag:s26], $0x1  }
0xb7: {  	[sflag:s26] =	ssyncadd.s32 $0xFFFFFFFF  }
0xb8: {  	_ =	strace $0x90000048  }
0xb9: {  	_ =	sfence  }
0xba: {  	s28 =	sld [smem:$0x0];
	_ =	sdelay $0x1  }
0xbb: {  	s29 =	srdreg.scid  }
0xbc: {  	s30 =	sshll.u32 s29, $0xD;
	s31 =	sshrl.u32 s29, $0x2  }
0xbd: {  	s1 =	sand.u32 $0x1, s29;
	s2 =	sand.u32 $0x4000, s30;
	s0 =	sadd.s32 s31, s28  }
0xbe: {  	s1 =	sor.u32 s2, s1;
	s0 =	sshll.u32 s0, $0x11  }
0xbf: {  	s0 =	sor.u32 s0, s1  }
0xc0: {  	s0 =	sadd.s32 $0x8F2B, s0  }
0xc1: {  	[sflag:s0] =	ssyncadd.remote.s32 $0x1  }
0xc2: {  	_ =	sfence.sel $0xFFFF  }
0xc3: {  	[dreg:$0x0] =	wrdreg $0xFFFFFFFF;
	(pc) =	sbr.abs _section_cstart, $3  }
0xc4: {  	[dreg:$0x1] =	wrdreg $0xFFFFFFFF  }
0xc5: {  	_ =	task.clear_ibuf [dreg:s8], $0x2FFFF;
	_ =	strace $0x9FFFFFFF  }
0xc6: {  	(tm) =	ssettm $0x7FFFFFFF  }
0xc7: {  	_ =	shalt  }
tec
execute0_lowered:
.L_overlay_start_1:
0x0: {  	(tag) =	ssettag $0x1  }
0x1: {  	s4 =	rddreg [dreg:$0x0]  }
0x2: {  	s5 =	rddreg [dreg:$0x1]  }
0x3: {  	s6 =	rddreg [dreg:$0x2]  }
0x4: {  	s2 =	rddreg [dreg:$0x3]  }
0x5: {  	s3 =	rddreg [dreg:$0x4];
	s7 =	simm.s32 $0x0  }
0x6: {  	s1 =	stileid.u32;
	[smem:$0x7FF] =	sst s7  }
0x7: {  	s0 =	rddreg [dreg:$0x5];
	s8 =	sshll.u32 s1, $0x7;
	_ =	strace $0x80000047  }
0x8: {  	[tilespmem:s7], [sflag:$0x1] =	stream.linear.gather [hbm4b:s4+s7], $0x1, $0x38;
	[tilespmem:$0xA10] =	vst v63  }
0x9: {  	s24 =	simm.s32 $0x1;
	s5 =	sadd.s32 s5, s8;
	s4 =	simm.s32 $0x80  }
0xa: {  	[tilespmem:s4], [sflag:$0x2] =	stream.linear.gather [hbm4b:s5+s7], $0x400, $0x38;
	[tilespmem:$0xA10] =	vst v63  }
0xb: {  	_ =	swait.ge [sflag:s24], $0x1  }
0xc: {  	[sflag:s24] =	ssyncset.done $0x0  }
0xd: {  	[sflag:s24] =	ssyncadd.s32 $0xFFFFFFFF  }
0xe: {  	v0 =	vld [tilespmem:$0x0];
	_ =	sdelay $0x4  }
0xf: {  	(v2sf) =	vpush v0, $0x0;
	_ =	sdelay $0xe  }
0x10: {  	s25 =	spop (v2sf)  }
0x11: {  	s26 =	sshll.u32 s25, $0xE  }
0x12: {  	s9 =	sshll.u32 s1, $0xD;
	s7 =	sshll.u32 s25, $0x7;
	s8 =	sand.u32 $0xFFFE0000, s26  }
0x13: {  	s7 =	sand.u32 $0x380, s7;
	s8 =	sor.u32 s9, s8  }
0x14: {  	s7 =	sor.u32 s7, s8  }
0x15: {  	s7 =	sshrl.u32 s7, $0x3  }
0x16: {  	s28 =	simm.s32 $0x400;
	s29 =	simm.s32 $0x480;
	s6 =	sadd.s32 s6, s7  }
0x17: {  	[tilespmem:s29], [sflag:$0x1] =	stream.strided.gather [hbm4b:s6+s4], $0x400, s28, s4, $0x38;
	[tilespmem:$0xA10] =	vst v63  }
0x18: {  	_ =	swait.ge [sflag:s24], $0x400  }
0x19: {  	[sflag:s24] =	ssyncset.done $0x0  }
0x1a: {  	s30 =	simm.s32 $0x2;
	[sflag:s24] =	ssyncadd.s32 $0xFFFFFC00  }
0x1b: {  	_ =	swait.ge [sflag:s30], $0x400  }
0x1c: {  	[sflag:s30] =	ssyncset.done $0x0  }
0x1d: {  	s5 =	simm.s32 $0x0;
	[sflag:s30] =	ssyncadd.s32 $0xFFFFFC00  }
0x1e: {  	s31 =	sand.u32 $0x3F0, s5;
	v1 =	vld [tilespmem:s4+$0x0]  }
0x1f: {  	v2 =	vld [tilespmem:s31+$0x480]  }
0x20: {  	v0 =	vimm.f32 $0.0e+00  }
.LBB2_1:
0x21: {  	s5 =	sadd.s32 $0x10, s5  }
0x22: {  	p0 =	slt.u32 s5, $0x3F0  }
.Ltmp0:
0x23: {  	s4 =	sadd.s32 $0x10, s4;
	(pc) =	sbr.rel @p0 .LBB2_1-.Ltmp0, $4  }
0x24: {  	s6 =	sand.u32 $0x3F0, s5;
	v3 =	vsub.f32 v1, v2;
	v1 =	vld [tilespmem:s4+$0x0]  }
0x25: {  	v2 =	vld [tilespmem:s6+$0x480]  }
0x26: {  	v3 =	vand.u32 $0x7FFFFFFF, v3  }
0x27: {  	v0 =	vadd.f32 v3, v0  }
0x28: {  	p0 =	seq.s32 s1, $0x0  }
.Ltmp1:
0x29: {  	_ = 	snop;
	(pc) =	sbr.rel @p0 .LBB2_4-.Ltmp1, $3  }
0x2a: {  	v1 =	vsub.f32 v1, v2;
	_ =	sdelay $0x1  }
0x2b: {  	v1 =	vand.u32 $0x7FFFFFFF, v1  }
0x2c: {  	v0 =	vadd.f32 v1, v0  }
0x2d: {  	s2 =	sshll.u32 s1, $0x4  }
0x2e: {  	s30 =	simm.s32 $0x880;
	s31 =	simm.s32 $0x3;
	s2 =	sadd.s32 s2, s3;
	[tilespmem:$0x880] =	vst v0  }
0x2f: {  	[spmem:s2] =	stream.linear.scatter [tilespmem:s30], [sflag:$0x3], $0x10, $0x38;
	[tilespmem:$0xA10] =	vst v63  }
.Ltmp2:
0x30: {  	_ =	swait.ge [sflag:s31], $0x10;
	(pc) =	sbr.rel .LBB2_5-.Ltmp2, $3  }
0x31: {  	[sflag:s31] =	ssyncset.done $0x0  }
0x32: {  	[sflag:s31] =	ssyncadd.s32 $0xFFFFFFF0  }
0x33: {  	[bflag:$0x0] =	sbarrier.arrive $0xFFFF;
	_ =	sdelay $0x1  }
.LBB2_4:
0x34: {  	s3 =	sadd.s32 $0x10, s3  }
0x35: {  	[bflag:$0x0] =	sbarrier.arrive $0xFFFF;
	s4 =	simm.s32 $0x890;
	s30 =	simm.s32 $0x3  }
0x36: {  	[tilespmem:s4], [sflag:$0x3] =	stream.linear.gather [spmem:s3], $0xF0, $0x38;
	[tilespmem:$0xA10] =	vst v63  }
0x37: {  	_ =	swait.ge [sflag:s30], $0xF0  }
0x38: {  	[sflag:s30] =	ssyncset.done $0x0  }
0x39: {  	[sflag:s30] =	ssyncadd.s32 $0xFFFFFF10  }
0x3a: {  	v1 =	vld [tilespmem:$0x890];
	_ =	sdelay $0x1  }
0x3b: {  	v2 =	vld [tilespmem:$0x8A0];
	_ =	sdelay $0x1  }
0x3c: {  	v3 =	vld [tilespmem:$0x8B0]  }
0x3d: {  	v0 =	vadd.f32 v1, v0  }
0x3e: {  	v42 =	vld [tilespmem:$0x8C0]  }
0x3f: {  	v0 =	vadd.f32 v2, v0  }
0x40: {  	v43 =	vld [tilespmem:$0x8D0]  }
0x41: {  	v0 =	vadd.f32 v3, v0  }
0x42: {  	v44 =	vld [tilespmem:$0x8E0]  }
0x43: {  	v0 =	vadd.f32 v42, v0  }
0x44: {  	v45 =	vld [tilespmem:$0x8F0]  }
0x45: {  	v0 =	vadd.f32 v43, v0  }
0x46: {  	v46 =	vld [tilespmem:$0x900]  }
0x47: {  	v0 =	vadd.f32 v44, v0  }
0x48: {  	v47 =	vld [tilespmem:$0x910]  }
0x49: {  	v0 =	vadd.f32 v45, v0  }
0x4a: {  	v48 =	vld [tilespmem:$0x920]  }
0x4b: {  	v0 =	vadd.f32 v46, v0  }
0x4c: {  	v49 =	vld [tilespmem:$0x930]  }
0x4d: {  	v0 =	vadd.f32 v47, v0  }
0x4e: {  	v50 =	vld [tilespmem:$0x940]  }
0x4f: {  	v0 =	vadd.f32 v48, v0  }
0x50: {  	v51 =	vld [tilespmem:$0x950]  }
0x51: {  	v0 =	vadd.f32 v49, v0  }
0x52: {  	v4 =	vimm.s32 $0xFEDCBA98;
	v52 =	vld [tilespmem:$0x960]  }
0x53: {  	v54 =	vimm.s32 $0x76543210;
	v4 =	vunpack.c.l.s4.s8 v4;
	v0 =	vadd.f32 v50, v0  }
0x54: {  	v53 =	vld [tilespmem:$0x970];
	v1 =	vunpack.c.l.s4.s8 v54  }
0x55: {  	v55 =	vunpack.c.0.s8.s32 v4;
	v0 =	vadd.f32 v51, v0  }
0x56: {  	v56 =	vimm.s32 $0xBA98FEDC;
	v1 =	vunpack.c.0.s8.s32 v1  }
0x57: {  	v57 =	vimm.s32 $0x32107654;
	v2 =	vand.u32 $0xF, v55;
	v0 =	vadd.f32 v52, v0  }
0x58: {  	v1 =	vcombine.low v2, v1;
	v2 =	vunpack.c.l.s4.s8 v56;
	v3 =	vunpack.c.l.s4.s8 v57  }
0x59: {  	v0 =	vadd.f32 v53, v0  }
0x5a: {  	v2 =	vunpack.c.0.s8.s32 v2;
	v3 =	vunpack.c.0.s8.s32 v3  }
0x5b: {  	v1 =	vperm.xlane v0, v1  }
0x5c: {  	v59 =	vimm.s32 $0xDCFE98BA;
	v60 =	vimm.s32 $0x54761032;
	v58 =	vcombine.low v3, v2  }
0x5d: {  	v2 =	vunpack.c.l.s4.s8 v59;
	v3 =	vunpack.c.l.s4.s8 v60;
	v0 =	vadd.f32 v1, v0  }
0x5e: {  	v62 =	vimm.s32 $0x67452301  }
0x5f: {  	v2 =	vunpack.c.0.s8.s32 v2;
	v3 =	vunpack.c.0.s8.s32 v3;
	v1 =	vperm.xlane v0, v58  }
0x60: {  	v61 =	vimm.s32 $0xEFCDAB89;
	v63 =	vunpack.c.l.s4.s8 v62  }
0x61: {  	v2 =	vcombine.low v3, v2;
	v0 =	vadd.f32 v1, v0;
	v1 =	vunpack.c.l.s4.s8 v61;
	_ =	sdelay $0x1  }
0x62: {  	v3 =	vunpack.c.0.s8.s32 v63;
	v2 =	vperm.xlane v0, v2;
	v1 =	vunpack.c.0.s8.s32 v1;
	_ =	sdelay $0x1  }
0x63: {  	v0 =	vadd.f32 v2, v0;
	v1 =	vcombine.low v3, v1;
	_ =	sdelay $0x1  }
0x64: {  	v1 =	vperm.xlane v0, v1;
	_ =	sdelay $0x1  }
0x65: {  	v0 =	vadd.f32 v1, v0;
	_ =	sdelay $0x1  }
0x66: {  	v0 =	vmul.f32 $6.103515630e-05, v0;
	_ =	sdelay $0x1  }
0x67: {  	s31 =	simm.s32 $0x0;
	s5 =	simm.s32 $0x990;
	[tilespmem:$0x990] =	vst v0  }
0x68: {  	[hbm4b:s2+s31] =	stream.linear.scatter [tilespmem:s5], [sflag:$0x3], $0x1, $0x38;
	[tilespmem:$0xA10] =	vst v63  }
0x69: {  	_ =	swait.ge [sflag:s30], $0x1  }
0x6a: {  	[sflag:s30] =	ssyncset.done $0x0  }
0x6b: {  	[sflag:s30] =	ssyncadd.s32 $0xFFFFFFFF  }
.LBB2_5:
0x6c: {  	_ =	sfence.sel $0x180000  }
0x6d: {  	[bflag:$0x0] =	sbarrier.arrive $0xFFFF  }
0x6e: {  	p0 =	sne.s32 s1, $0x0;
	_ =	strace $0x90000047  }
0x6f: {  	s0 =	sadd.s32 @!p0 $0x100000, s0;
	[bflag:$0x2] =	sbarrier.arrive $0xFFFF  }
0x70: {  	[sflag:s0] =	ssyncadd.tile.s32 @!p0 $0x1;
	_ =	shalt  }
.Lfunc_end2:
_tile_overlayer_lowered:
.L_overlay_start_2:
0x71: {  	(tag) =	ssettag $0x2  }
0x72: {  	s0 =	rddreg [dreg:$0x0];
	s2 =	stileid.u32  }
0x73: {  	s1 =	rddreg [dreg:$0x1];
	p0 =	sne.s32 s2, $0x0  }
0x74: {  	s3 =	rddreg [dreg:$0x2];
	[bflag:$0x3] =	sbarrier.arrive $0xFFFF;
	s2 =	simm.s32 @!p0 $0x1C03  }
0x75: {  	[timem:s3], [sflag:s2] =	dma.local @!p0 [hbm:s0], s1  }
0x76: {  	s0 =	simm.s32 @!p0 $0x3  }
0x77: {  	_ =	swait.ge @!p0 [sflag:s0], s1  }
0x78: {  	s1 =	ssub.s32 @!p0 $0x0, s1;
	[sflag:s0] =	ssyncset.done @!p0 $0x0  }
0x79: {  	[sflag:s0] =	ssyncadd.s32 @!p0 s1  }
0x7a: {  	[bflag:$0x3] =	sbarrier.arrive $0xFFFF  }
0x7b: {  	_ =	shalt  }

</sc_bundles>
